<compile_context>
chip_gen: v7x
topology: tpu7x:2x2x1
jax: 0.10.2.dev20260603
libtpu: 0.0.44.dev20260713+nightly
codegen_flags: <defaults>
</compile_context>

<pallas_src>
import jax
import jax.numpy as jnp
from jax import lax
from jax.experimental import pallas as pl
from jax.experimental.pallas import tpu as pltpu
from jax.experimental.pallas import tpu_sc as plsc

_D = 64
_B = 16384
_NC = 2
_NS = 16
_NW = _NC * _NS
_BPW = _B // _NW
_CHUNK = 128
_NCHUNK = _BPW // _CHUNK


def _gather_body(n_id_hbm, memory_hbm, last_hbm, mem_out_hbm, last_out_hbm,
                 idx_v, rows_v, last_v, sem_rows, sem_last):
    wid = lax.axis_index("s") * _NC + lax.axis_index("c")
    base = wid * _BPW

    pltpu.sync_copy(n_id_hbm.at[wid], idx_v)

    copies = []
    for j in range(_NCHUNK):
        idx_j = idx_v.at[j]
        copies.append(pltpu.async_copy(
            memory_hbm.at[idx_j], rows_v.at[pl.ds(j * _CHUNK, _CHUNK)],
            sem_rows))
        copies.append(pltpu.async_copy(
            last_hbm.at[idx_j], last_v.at[pl.ds(j * _CHUNK, _CHUNK)],
            sem_last))
    for c in copies:
        c.wait()

    pltpu.sync_copy(rows_v, mem_out_hbm.at[pl.ds(base, _BPW)])
    pltpu.sync_copy(last_v, last_out_hbm.at[pl.ds(base, _BPW)])


_gather_call = pl.kernel(
    _gather_body,
    out_type=(
        jax.ShapeDtypeStruct((_B, _D), jnp.float32),
        jax.ShapeDtypeStruct((_B,), jnp.int32),
    ),
    mesh=plsc.VectorSubcoreMesh(
        core_axis_name="c", subcore_axis_name="s",
        num_cores=_NC, num_subcores=_NS),
    scratch_types=[
        pltpu.VMEM((_NCHUNK, _CHUNK), jnp.int32),
        pltpu.VMEM((_BPW, _D), jnp.float32),
        pltpu.VMEM((_BPW,), jnp.int32),
        pltpu.SemaphoreType.DMA,
        pltpu.SemaphoreType.DMA,
    ],
    compiler_params=pltpu.CompilerParams(use_tc_tiling_on_sc=False),
)


@jax.jit
def kernel(n_id, memory, last_update):
    n_id_r = n_id.reshape(_NW, _NCHUNK, _CHUNK)
    mem_out, last_out = _gather_call(n_id_r, memory, last_update)
    return (mem_out, last_out)

# --- scband reference (transcript-rebuilt; emitter-appended) ---
"""Pipeline reference for scband-no-memory-59004260712906 (READ-ONLY COPY).

The authoritative reference and input builder live on the scoring server;
editing this copy changes nothing except your own understanding.
"""

import jax, jax.numpy as jnp
import numpy as np

NUM_NODES = 1000000
MEMORY_DIM = 64
BATCH = 16384

def setup_inputs(seed: int = 0) -> dict:
    key = jax.random.key(seed)
    k1, k2 = jax.random.split(key, 2)
    n_id = jax.random.randint(k1, (BATCH,), 0, NUM_NODES, dtype=jnp.int32)
    # learned/stateful buffers sized per init_kwargs
    memory = jax.random.normal(k2, (NUM_NODES, MEMORY_DIM), dtype=jnp.float32)
    last_update = jnp.zeros((NUM_NODES,), dtype=jnp.int32)
    return {"n_id": n_id, "memory": memory, "last_update": last_update}

def reference(n_id, memory, last_update):
    # NoMemory.forward: pure gather of memory rows and last-update timestamps
    mem_out = jnp.take(memory, n_id, axis=0)
    last_out = jnp.take(last_update, n_id, axis=0)
    return (mem_out, last_out)

if __name__ == "__main__":
    import jax
    _d = setup_inputs()
    print(jax.jit(kernel)(*tuple(_d.values())))

</pallas_src>

<mosaic_0001>
#map = affine_map<(d0, d1) -> (0, 0, 0)>
#map1 = affine_map<(d0, d1) -> (0, 0)>
#map2 = affine_map<(d0, d1) -> (0)>
module attributes {stable_mosaic.version = 14 : i64} {
  func.func @_gather_body(%arg0: i32, %arg1: i32, %arg2: memref<32x4x128xi32, #tpu.memory_space<hbm>>, %arg3: memref<1000000x64xf32, #tpu.memory_space<hbm>>, %arg4: memref<1000000xi32, #tpu.memory_space<hbm>>, %arg5: memref<16384x64xf32, #tpu.memory_space<hbm>>, %arg6: memref<16384xi32, #tpu.memory_space<hbm>>, %arg7: memref<4x128xi32, #tpu.memory_space<vmem>>, %arg8: memref<512x64xf32, #tpu.memory_space<vmem>>, %arg9: memref<512xi32, #tpu.memory_space<vmem>>, %arg10: memref<!tpu.dma_semaphore, #tpu.memory_space<semaphore_mem>>, %arg11: memref<!tpu.dma_semaphore, #tpu.memory_space<semaphore_mem>>) attributes {dimension_semantics = [#tpu.dimension_semantics<core_parallel>, #tpu.dimension_semantics<subcore_parallel>], iteration_bounds = array<i64: 2, 16>, scalar_prefetch = 0 : i64, scratch_operands = 5 : i64, tpu.core_type = #tpu.core_type<sc_vector_subcore>, window_params = [{transform_indices = #map}, {transform_indices = #map1}, {transform_indices = #map2}, {transform_indices = #map1}, {transform_indices = #map2}]} {
    %mul3A = arith.constant 2 : i32
    %mul3A_0 = arith.muli %arg1, %mul3A : i32
    %add3A = arith.addi %mul3A_0, %arg0 : i32
    %mul3A_1 = arith.constant 512 : i32
    %mul3A_2 = arith.muli %add3A, %mul3A_1 : i32
    "tpu.region"() ({
      %run_scoped3A = tpu.sem_alloc : memref<!tpu.dma_semaphore, #tpu.memory_space<semaphore_mem>>
      %dma_start3A_145 = arith.constant 0 : i32
      %dma_start3A_146 = arith.constant 0 : i32
      %dma_start3A_147 = tpu.memref_slice %arg2[%add3A, %dma_start3A_145, %dma_start3A_146] : memref<32x4x128xi32, #tpu.memory_space<hbm>> -> memref<1x4x128xi32, #tpu.memory_space<hbm>>
      %dma_start3A_148 = tpu.memref_squeeze %dma_start3A_147 : memref<1x4x128xi32, #tpu.memory_space<hbm>> -> memref<4x128xi32, #tpu.memory_space<hbm>>
      %dma_start3A_149 = arith.constant 0 : i32
      %dma_start3A_150 = arith.constant 0 : i32
      %dma_start3A_151 = tpu.memref_slice %arg2[%add3A, %dma_start3A_149, %dma_start3A_150] : memref<32x4x128xi32, #tpu.memory_space<hbm>> -> memref<1x4x128xi32, #tpu.memory_space<hbm>>
      %dma_start3A_152 = tpu.memref_squeeze %dma_start3A_151 : memref<1x4x128xi32, #tpu.memory_space<hbm>> -> memref<4x128xi32, #tpu.memory_space<hbm>>
      tpu.enqueue_dma source(%dma_start3A_152 : memref<4x128xi32, #tpu.memory_space<hbm>>) target(%arg7 : memref<4x128xi32, #tpu.memory_space<vmem>>) target_semaphore(%run_scoped3A : memref<!tpu.dma_semaphore, #tpu.memory_space<semaphore_mem>>)
      %dma_wait3A_153 = arith.constant 0 : i32
      %dma_wait3A_154 = arith.constant 0 : i32
      %dma_wait3A_155 = tpu.memref_slice %arg2[%add3A, %dma_wait3A_153, %dma_wait3A_154] : memref<32x4x128xi32, #tpu.memory_space<hbm>> -> memref<1x4x128xi32, #tpu.memory_space<hbm>>
      %dma_wait3A_156 = tpu.memref_squeeze %dma_wait3A_155 : memref<1x4x128xi32, #tpu.memory_space<hbm>> -> memref<4x128xi32, #tpu.memory_space<hbm>>
      %dma_wait3A_157 = arith.constant 0 : i32
      %dma_wait3A_158 = arith.constant 0 : i32
      %dma_wait3A_159 = tpu.memref_slice %arg2[%add3A, %dma_wait3A_157, %dma_wait3A_158] : memref<32x4x128xi32, #tpu.memory_space<hbm>> -> memref<1x4x128xi32, #tpu.memory_space<hbm>>
      %dma_wait3A_160 = tpu.memref_squeeze %dma_wait3A_159 : memref<1x4x128xi32, #tpu.memory_space<hbm>> -> memref<4x128xi32, #tpu.memory_space<hbm>>
      tpu.wait_dma2 semaphore(%run_scoped3A : memref<!tpu.dma_semaphore, #tpu.memory_space<semaphore_mem>>) src(%dma_wait3A_160 : memref<4x128xi32, #tpu.memory_space<hbm>>) dst(%arg7 : memref<4x128xi32, #tpu.memory_space<vmem>>)
      tpu.yield
    }) : () -> ()
    %dma_start3A = arith.constant 0 : i32
    %dma_start3A_3 = arith.constant 0 : i32
    %dma_start3A_4 = arith.constant 0 : i32
    %dma_start3A_5 = tpu.memref_slice %arg8[%dma_start3A_3, %dma_start3A_4] : memref<512x64xf32, #tpu.memory_space<vmem>> -> memref<128x64xf32, #tpu.memory_space<vmem>>
    %dma_start3A_6 = arith.constant 0 : i32
    %dma_start3A_7 = tpu.memref_slice %arg7[%dma_start3A, %dma_start3A_6] : memref<4x128xi32, #tpu.memory_space<vmem>> -> memref<1x128xi32, #tpu.memory_space<vmem>>
    %dma_start3A_8 = tpu.memref_squeeze %dma_start3A_7 : memref<1x128xi32, #tpu.memory_space<vmem>> -> memref<128xi32, #tpu.memory_space<vmem>>
    %dma_start3A_9 = arith.constant 0 : i32
    %dma_start3A_10 = arith.constant 0 : i32
    %dma_start3A_11 = tpu.memref_slice %arg3[%dma_start3A_9, %dma_start3A_10] : memref<1000000x64xf32, #tpu.memory_space<hbm>> -> memref<1000000x64xf32, #tpu.memory_space<hbm>>
    tpu.enqueue_indirect_dma source(%dma_start3A_11 : memref<1000000x64xf32, #tpu.memory_space<hbm>>) target(%dma_start3A_5 : memref<128x64xf32, #tpu.memory_space<vmem>>) offsets(%dma_start3A_8 : memref<128xi32, #tpu.memory_space<vmem>>) semaphore(%arg10 : memref<!tpu.dma_semaphore, #tpu.memory_space<semaphore_mem>>)
    %dma_start3A_12 = arith.constant 0 : i32
    %dma_start3A_13 = arith.constant 0 : i32
    %dma_start3A_14 = tpu.memref_slice %arg9[%dma_start3A_13] : memref<512xi32, #tpu.memory_space<vmem>> -> memref<128xi32, #tpu.memory_space<vmem>>
    %dma_start3A_15 = arith.constant 0 : i32
    %dma_start3A_16 = tpu.memref_slice %arg7[%dma_start3A_12, %dma_start3A_15] : memref<4x128xi32, #tpu.memory_space<vmem>> -> memref<1x128xi32, #tpu.memory_space<vmem>>
    %dma_start3A_17 = tpu.memref_squeeze %dma_start3A_16 : memref<1x128xi32, #tpu.memory_space<vmem>> -> memref<128xi32, #tpu.memory_space<vmem>>
    %dma_start3A_18 = arith.constant 0 : i32
    %dma_start3A_19 = tpu.memref_slice %arg4[%dma_start3A_18] : memref<1000000xi32, #tpu.memory_space<hbm>> -> memref<1000000xi32, #tpu.memory_space<hbm>>
    tpu.enqueue_indirect_dma source(%dma_start3A_19 : memref<1000000xi32, #tpu.memory_space<hbm>>) target(%dma_start3A_14 : memref<128xi32, #tpu.memory_space<vmem>>) offsets(%dma_start3A_17 : memref<128xi32, #tpu.memory_space<vmem>>) semaphore(%arg11 : memref<!tpu.dma_semaphore, #tpu.memory_space<semaphore_mem>>)
    %dma_start3A_20 = arith.constant 1 : i32
    %dma_start3A_21 = arith.constant 128 : i32
    %dma_start3A_22 = arith.constant 0 : i32
    %dma_start3A_23 = tpu.memref_slice %arg8[%dma_start3A_21, %dma_start3A_22] : memref<512x64xf32, #tpu.memory_space<vmem>> -> memref<128x64xf32, #tpu.memory_space<vmem>>
    %dma_start3A_24 = arith.constant 0 : i32
    %dma_start3A_25 = tpu.memref_slice %arg7[%dma_start3A_20, %dma_start3A_24] : memref<4x128xi32, #tpu.memory_space<vmem>> -> memref<1x128xi32, #tpu.memory_space<vmem>>
    %dma_start3A_26 = tpu.memref_squeeze %dma_start3A_25 : memref<1x128xi32, #tpu.memory_space<vmem>> -> memref<128xi32, #tpu.memory_space<vmem>>
    %dma_start3A_27 = arith.constant 0 : i32
    %dma_start3A_28 = arith.constant 0 : i32
    %dma_start3A_29 = tpu.memref_slice %arg3[%dma_start3A_27, %dma_start3A_28] : memref<1000000x64xf32, #tpu.memory_space<hbm>> -> memref<1000000x64xf32, #tpu.memory_space<hbm>>
    tpu.enqueue_indirect_dma source(%dma_start3A_29 : memref<1000000x64xf32, #tpu.memory_space<hbm>>) target(%dma_start3A_23 : memref<128x64xf32, #tpu.memory_space<vmem>>) offsets(%dma_start3A_26 : memref<128xi32, #tpu.memory_space<vmem>>) semaphore(%arg10 : memref<!tpu.dma_semaphore, #tpu.memory_space<semaphore_mem>>)
    %dma_start3A_30 = arith.constant 1 : i32
    %dma_start3A_31 = arith.constant 128 : i32
    %dma_start3A_32 = tpu.memref_slice %arg9[%dma_start3A_31] : memref<512xi32, #tpu.memory_space<vmem>> -> memref<128xi32, #tpu.memory_space<vmem>>
    %dma_start3A_33 = arith.constant 0 : i32
    %dma_start3A_34 = tpu.memref_slice %arg7[%dma_start3A_30, %dma_start3A_33] : memref<4x128xi32, #tpu.memory_space<vmem>> -> memref<1x128xi32, #tpu.memory_space<vmem>>
    %dma_start3A_35 = tpu.memref_squeeze %dma_start3A_34 : memref<1x128xi32, #tpu.memory_space<vmem>> -> memref<128xi32, #tpu.memory_space<vmem>>
    %dma_start3A_36 = arith.constant 0 : i32
    %dma_start3A_37 = tpu.memref_slice %arg4[%dma_start3A_36] : memref<1000000xi32, #tpu.memory_space<hbm>> -> memref<1000000xi32, #tpu.memory_space<hbm>>
    tpu.enqueue_indirect_dma source(%dma_start3A_37 : memref<1000000xi32, #tpu.memory_space<hbm>>) target(%dma_start3A_32 : memref<128xi32, #tpu.memory_space<vmem>>) offsets(%dma_start3A_35 : memref<128xi32, #tpu.memory_space<vmem>>) semaphore(%arg11 : memref<!tpu.dma_semaphore, #tpu.memory_space<semaphore_mem>>)
    %dma_start3A_38 = arith.constant 2 : i32
    %dma_start3A_39 = arith.constant 256 : i32
    %dma_start3A_40 = arith.constant 0 : i32
    %dma_start3A_41 = tpu.memref_slice %arg8[%dma_start3A_39, %dma_start3A_40] : memref<512x64xf32, #tpu.memory_space<vmem>> -> memref<128x64xf32, #tpu.memory_space<vmem>>
    %dma_start3A_42 = arith.constant 0 : i32
    %dma_start3A_43 = tpu.memref_slice %arg7[%dma_start3A_38, %dma_start3A_42] : memref<4x128xi32, #tpu.memory_space<vmem>> -> memref<1x128xi32, #tpu.memory_space<vmem>>
    %dma_start3A_44 = tpu.memref_squeeze %dma_start3A_43 : memref<1x128xi32, #tpu.memory_space<vmem>> -> memref<128xi32, #tpu.memory_space<vmem>>
    %dma_start3A_45 = arith.constant 0 : i32
    %dma_start3A_46 = arith.constant 0 : i32
    %dma_start3A_47 = tpu.memref_slice %arg3[%dma_start3A_45, %dma_start3A_46] : memref<1000000x64xf32, #tpu.memory_space<hbm>> -> memref<1000000x64xf32, #tpu.memory_space<hbm>>
    tpu.enqueue_indirect_dma source(%dma_start3A_47 : memref<1000000x64xf32, #tpu.memory_space<hbm>>) target(%dma_start3A_41 : memref<128x64xf32, #tpu.memory_space<vmem>>) offsets(%dma_start3A_44 : memref<128xi32, #tpu.memory_space<vmem>>) semaphore(%arg10 : memref<!tpu.dma_semaphore, #tpu.memory_space<semaphore_mem>>)
    %dma_start3A_48 = arith.constant 2 : i32
    %dma_start3A_49 = arith.constant 256 : i32
    %dma_start3A_50 = tpu.memref_slice %arg9[%dma_start3A_49] : memref<512xi32, #tpu.memory_space<vmem>> -> memref<128xi32, #tpu.memory_space<vmem>>
    %dma_start3A_51 = arith.constant 0 : i32
    %dma_start3A_52 = tpu.memref_slice %arg7[%dma_start3A_48, %dma_start3A_51] : memref<4x128xi32, #tpu.memory_space<vmem>> -> memref<1x128xi32, #tpu.memory_space<vmem>>
    %dma_start3A_53 = tpu.memref_squeeze %dma_start3A_52 : memref<1x128xi32, #tpu.memory_space<vmem>> -> memref<128xi32, #tpu.memory_space<vmem>>
    %dma_start3A_54 = arith.constant 0 : i32
    %dma_start3A_55 = tpu.memref_slice %arg4[%dma_start3A_54] : memref<1000000xi32, #tpu.memory_space<hbm>> -> memref<1000000xi32, #tpu.memory_space<hbm>>
    tpu.enqueue_indirect_dma source(%dma_start3A_55 : memref<1000000xi32, #tpu.memory_space<hbm>>) target(%dma_start3A_50 : memref<128xi32, #tpu.memory_space<vmem>>) offsets(%dma_start3A_53 : memref<128xi32, #tpu.memory_space<vmem>>) semaphore(%arg11 : memref<!tpu.dma_semaphore, #tpu.memory_space<semaphore_mem>>)
    %dma_start3A_56 = arith.constant 3 : i32
    %dma_start3A_57 = arith.constant 384 : i32
    %dma_start3A_58 = arith.constant 0 : i32
    %dma_start3A_59 = tpu.memref_slice %arg8[%dma_start3A_57, %dma_start3A_58] : memref<512x64xf32, #tpu.memory_space<vmem>> -> memref<128x64xf32, #tpu.memory_space<vmem>>
    %dma_start3A_60 = arith.constant 0 : i32
    %dma_start3A_61 = tpu.memref_slice %arg7[%dma_start3A_56, %dma_start3A_60] : memref<4x128xi32, #tpu.memory_space<vmem>> -> memref<1x128xi32, #tpu.memory_space<vmem>>
    %dma_start3A_62 = tpu.memref_squeeze %dma_start3A_61 : memref<1x128xi32, #tpu.memory_space<vmem>> -> memref<128xi32, #tpu.memory_space<vmem>>
    %dma_start3A_63 = arith.constant 0 : i32
    %dma_start3A_64 = arith.constant 0 : i32
    %dma_start3A_65 = tpu.memref_slice %arg3[%dma_start3A_63, %dma_start3A_64] : memref<1000000x64xf32, #tpu.memory_space<hbm>> -> memref<1000000x64xf32, #tpu.memory_space<hbm>>
    tpu.enqueue_indirect_dma source(%dma_start3A_65 : memref<1000000x64xf32, #tpu.memory_space<hbm>>) target(%dma_start3A_59 : memref<128x64xf32, #tpu.memory_space<vmem>>) offsets(%dma_start3A_62 : memref<128xi32, #tpu.memory_space<vmem>>) semaphore(%arg10 : memref<!tpu.dma_semaphore, #tpu.memory_space<semaphore_mem>>)
    %dma_start3A_66 = arith.constant 3 : i32
    %dma_start3A_67 = arith.constant 384 : i32
    %dma_start3A_68 = tpu.memref_slice %arg9[%dma_start3A_67] : memref<512xi32, #tpu.memory_space<vmem>> -> memref<128xi32, #tpu.memory_space<vmem>>
    %dma_start3A_69 = arith.constant 0 : i32
    %dma_start3A_70 = tpu.memref_slice %arg7[%dma_start3A_66, %dma_start3A_69] : memref<4x128xi32, #tpu.memory_space<vmem>> -> memref<1x128xi32, #tpu.memory_space<vmem>>
    %dma_start3A_71 = tpu.memref_squeeze %dma_start3A_70 : memref<1x128xi32, #tpu.memory_space<vmem>> -> memref<128xi32, #tpu.memory_space<vmem>>
    %dma_start3A_72 = arith.constant 0 : i32
    %dma_start3A_73 = tpu.memref_slice %arg4[%dma_start3A_72] : memref<1000000xi32, #tpu.memory_space<hbm>> -> memref<1000000xi32, #tpu.memory_space<hbm>>
    tpu.enqueue_indirect_dma source(%dma_start3A_73 : memref<1000000xi32, #tpu.memory_space<hbm>>) target(%dma_start3A_68 : memref<128xi32, #tpu.memory_space<vmem>>) offsets(%dma_start3A_71 : memref<128xi32, #tpu.memory_space<vmem>>) semaphore(%arg11 : memref<!tpu.dma_semaphore, #tpu.memory_space<semaphore_mem>>)
    %dma_wait3A = arith.constant 0 : i32
    %dma_wait3A_74 = arith.constant 0 : i32
    %dma_wait3A_75 = arith.constant 0 : i32
    %dma_wait3A_76 = tpu.memref_slice %arg8[%dma_wait3A_74, %dma_wait3A_75] : memref<512x64xf32, #tpu.memory_space<vmem>> -> memref<128x64xf32, #tpu.memory_space<vmem>>
    %dma_wait3A_77 = arith.constant 0 : i32
    %dma_wait3A_78 = tpu.memref_slice %arg7[%dma_wait3A, %dma_wait3A_77] : memref<4x128xi32, #tpu.memory_space<vmem>> -> memref<1x128xi32, #tpu.memory_space<vmem>>
    %dma_wait3A_79 = tpu.memref_squeeze %dma_wait3A_78 : memref<1x128xi32, #tpu.memory_space<vmem>> -> memref<128xi32, #tpu.memory_space<vmem>>
    %dma_wait3A_80 = arith.constant 0 : i32
    %dma_wait3A_81 = arith.constant 0 : i32
    %dma_wait3A_82 = tpu.memref_slice %arg3[%dma_wait3A_80, %dma_wait3A_81] : memref<1000000x64xf32, #tpu.memory_space<hbm>> -> memref<1000000x64xf32, #tpu.memory_space<hbm>>
    tpu.wait_indirect_dma semaphore(%arg10 : memref<!tpu.dma_semaphore, #tpu.memory_space<semaphore_mem>>) src(%dma_wait3A_82 : memref<1000000x64xf32, #tpu.memory_space<hbm>>) dst(%dma_wait3A_76 : memref<128x64xf32, #tpu.memory_space<vmem>>)
    %dma_wait3A_83 = arith.constant 0 : i32
    %dma_wait3A_84 = arith.constant 0 : i32
    %dma_wait3A_85 = tpu.memref_slice %arg9[%dma_wait3A_84] : memref<512xi32, #tpu.memory_space<vmem>> -> memref<128xi32, #tpu.memory_space<vmem>>
    %dma_wait3A_86 = arith.constant 0 : i32
    %dma_wait3A_87 = tpu.memref_slice %arg7[%dma_wait3A_83, %dma_wait3A_86] : memref<4x128xi32, #tpu.memory_space<vmem>> -> memref<1x128xi32, #tpu.memory_space<vmem>>
    %dma_wait3A_88 = tpu.memref_squeeze %dma_wait3A_87 : memref<1x128xi32, #tpu.memory_space<vmem>> -> memref<128xi32, #tpu.memory_space<vmem>>
    %dma_wait3A_89 = arith.constant 0 : i32
    %dma_wait3A_90 = tpu.memref_slice %arg4[%dma_wait3A_89] : memref<1000000xi32, #tpu.memory_space<hbm>> -> memref<1000000xi32, #tpu.memory_space<hbm>>
    tpu.wait_indirect_dma semaphore(%arg11 : memref<!tpu.dma_semaphore, #tpu.memory_space<semaphore_mem>>) src(%dma_wait3A_90 : memref<1000000xi32, #tpu.memory_space<hbm>>) dst(%dma_wait3A_85 : memref<128xi32, #tpu.memory_space<vmem>>)
    %dma_wait3A_91 = arith.constant 1 : i32
    %dma_wait3A_92 = arith.constant 128 : i32
    %dma_wait3A_93 = arith.constant 0 : i32
    %dma_wait3A_94 = tpu.memref_slice %arg8[%dma_wait3A_92, %dma_wait3A_93] : memref<512x64xf32, #tpu.memory_space<vmem>> -> memref<128x64xf32, #tpu.memory_space<vmem>>
    %dma_wait3A_95 = arith.constant 0 : i32
    %dma_wait3A_96 = tpu.memref_slice %arg7[%dma_wait3A_91, %dma_wait3A_95] : memref<4x128xi32, #tpu.memory_space<vmem>> -> memref<1x128xi32, #tpu.memory_space<vmem>>
    %dma_wait3A_97 = tpu.memref_squeeze %dma_wait3A_96 : memref<1x128xi32, #tpu.memory_space<vmem>> -> memref<128xi32, #tpu.memory_space<vmem>>
    %dma_wait3A_98 = arith.constant 0 : i32
    %dma_wait3A_99 = arith.constant 0 : i32
    %dma_wait3A_100 = tpu.memref_slice %arg3[%dma_wait3A_98, %dma_wait3A_99] : memref<1000000x64xf32, #tpu.memory_space<hbm>> -> memref<1000000x64xf32, #tpu.memory_space<hbm>>
    tpu.wait_indirect_dma semaphore(%arg10 : memref<!tpu.dma_semaphore, #tpu.memory_space<semaphore_mem>>) src(%dma_wait3A_100 : memref<1000000x64xf32, #tpu.memory_space<hbm>>) dst(%dma_wait3A_94 : memref<128x64xf32, #tpu.memory_space<vmem>>)
    %dma_wait3A_101 = arith.constant 1 : i32
    %dma_wait3A_102 = arith.constant 128 : i32
    %dma_wait3A_103 = tpu.memref_slice %arg9[%dma_wait3A_102] : memref<512xi32, #tpu.memory_space<vmem>> -> memref<128xi32, #tpu.memory_space<vmem>>
    %dma_wait3A_104 = arith.constant 0 : i32
    %dma_wait3A_105 = tpu.memref_slice %arg7[%dma_wait3A_101, %dma_wait3A_104] : memref<4x128xi32, #tpu.memory_space<vmem>> -> memref<1x128xi32, #tpu.memory_space<vmem>>
    %dma_wait3A_106 = tpu.memref_squeeze %dma_wait3A_105 : memref<1x128xi32, #tpu.memory_space<vmem>> -> memref<128xi32, #tpu.memory_space<vmem>>
    %dma_wait3A_107 = arith.constant 0 : i32
    %dma_wait3A_108 = tpu.memref_slice %arg4[%dma_wait3A_107] : memref<1000000xi32, #tpu.memory_space<hbm>> -> memref<1000000xi32, #tpu.memory_space<hbm>>
    tpu.wait_indirect_dma semaphore(%arg11 : memref<!tpu.dma_semaphore, #tpu.memory_space<semaphore_mem>>) src(%dma_wait3A_108 : memref<1000000xi32, #tpu.memory_space<hbm>>) dst(%dma_wait3A_103 : memref<128xi32, #tpu.memory_space<vmem>>)
    %dma_wait3A_109 = arith.constant 2 : i32
    %dma_wait3A_110 = arith.constant 256 : i32
    %dma_wait3A_111 = arith.constant 0 : i32
    %dma_wait3A_112 = tpu.memref_slice %arg8[%dma_wait3A_110, %dma_wait3A_111] : memref<512x64xf32, #tpu.memory_space<vmem>> -> memref<128x64xf32, #tpu.memory_space<vmem>>
    %dma_wait3A_113 = arith.constant 0 : i32
    %dma_wait3A_114 = tpu.memref_slice %arg7[%dma_wait3A_109, %dma_wait3A_113] : memref<4x128xi32, #tpu.memory_space<vmem>> -> memref<1x128xi32, #tpu.memory_space<vmem>>
    %dma_wait3A_115 = tpu.memref_squeeze %dma_wait3A_114 : memref<1x128xi32, #tpu.memory_space<vmem>> -> memref<128xi32, #tpu.memory_space<vmem>>
    %dma_wait3A_116 = arith.constant 0 : i32
    %dma_wait3A_117 = arith.constant 0 : i32
    %dma_wait3A_118 = tpu.memref_slice %arg3[%dma_wait3A_116, %dma_wait3A_117] : memref<1000000x64xf32, #tpu.memory_space<hbm>> -> memref<1000000x64xf32, #tpu.memory_space<hbm>>
    tpu.wait_indirect_dma semaphore(%arg10 : memref<!tpu.dma_semaphore, #tpu.memory_space<semaphore_mem>>) src(%dma_wait3A_118 : memref<1000000x64xf32, #tpu.memory_space<hbm>>) dst(%dma_wait3A_112 : memref<128x64xf32, #tpu.memory_space<vmem>>)
    %dma_wait3A_119 = arith.constant 2 : i32
    %dma_wait3A_120 = arith.constant 256 : i32
    %dma_wait3A_121 = tpu.memref_slice %arg9[%dma_wait3A_120] : memref<512xi32, #tpu.memory_space<vmem>> -> memref<128xi32, #tpu.memory_space<vmem>>
    %dma_wait3A_122 = arith.constant 0 : i32
    %dma_wait3A_123 = tpu.memref_slice %arg7[%dma_wait3A_119, %dma_wait3A_122] : memref<4x128xi32, #tpu.memory_space<vmem>> -> memref<1x128xi32, #tpu.memory_space<vmem>>
    %dma_wait3A_124 = tpu.memref_squeeze %dma_wait3A_123 : memref<1x128xi32, #tpu.memory_space<vmem>> -> memref<128xi32, #tpu.memory_space<vmem>>
    %dma_wait3A_125 = arith.constant 0 : i32
    %dma_wait3A_126 = tpu.memref_slice %arg4[%dma_wait3A_125] : memref<1000000xi32, #tpu.memory_space<hbm>> -> memref<1000000xi32, #tpu.memory_space<hbm>>
    tpu.wait_indirect_dma semaphore(%arg11 : memref<!tpu.dma_semaphore, #tpu.memory_space<semaphore_mem>>) src(%dma_wait3A_126 : memref<1000000xi32, #tpu.memory_space<hbm>>) dst(%dma_wait3A_121 : memref<128xi32, #tpu.memory_space<vmem>>)
    %dma_wait3A_127 = arith.constant 3 : i32
    %dma_wait3A_128 = arith.constant 384 : i32
    %dma_wait3A_129 = arith.constant 0 : i32
    %dma_wait3A_130 = tpu.memref_slice %arg8[%dma_wait3A_128, %dma_wait3A_129] : memref<512x64xf32, #tpu.memory_space<vmem>> -> memref<128x64xf32, #tpu.memory_space<vmem>>
    %dma_wait3A_131 = arith.constant 0 : i32
    %dma_wait3A_132 = tpu.memref_slice %arg7[%dma_wait3A_127, %dma_wait3A_131] : memref<4x128xi32, #tpu.memory_space<vmem>> -> memref<1x128xi32, #tpu.memory_space<vmem>>
    %dma_wait3A_133 = tpu.memref_squeeze %dma_wait3A_132 : memref<1x128xi32, #tpu.memory_space<vmem>> -> memref<128xi32, #tpu.memory_space<vmem>>
    %dma_wait3A_134 = arith.constant 0 : i32
    %dma_wait3A_135 = arith.constant 0 : i32
    %dma_wait3A_136 = tpu.memref_slice %arg3[%dma_wait3A_134, %dma_wait3A_135] : memref<1000000x64xf32, #tpu.memory_space<hbm>> -> memref<1000000x64xf32, #tpu.memory_space<hbm>>
    tpu.wait_indirect_dma semaphore(%arg10 : memref<!tpu.dma_semaphore, #tpu.memory_space<semaphore_mem>>) src(%dma_wait3A_136 : memref<1000000x64xf32, #tpu.memory_space<hbm>>) dst(%dma_wait3A_130 : memref<128x64xf32, #tpu.memory_space<vmem>>)
    %dma_wait3A_137 = arith.constant 3 : i32
    %dma_wait3A_138 = arith.constant 384 : i32
    %dma_wait3A_139 = tpu.memref_slice %arg9[%dma_wait3A_138] : memref<512xi32, #tpu.memory_space<vmem>> -> memref<128xi32, #tpu.memory_space<vmem>>
    %dma_wait3A_140 = arith.constant 0 : i32
    %dma_wait3A_141 = tpu.memref_slice %arg7[%dma_wait3A_137, %dma_wait3A_140] : memref<4x128xi32, #tpu.memory_space<vmem>> -> memref<1x128xi32, #tpu.memory_space<vmem>>
    %dma_wait3A_142 = tpu.memref_squeeze %dma_wait3A_141 : memref<1x128xi32, #tpu.memory_space<vmem>> -> memref<128xi32, #tpu.memory_space<vmem>>
    %dma_wait3A_143 = arith.constant 0 : i32
    %dma_wait3A_144 = tpu.memref_slice %arg4[%dma_wait3A_143] : memref<1000000xi32, #tpu.memory_space<hbm>> -> memref<1000000xi32, #tpu.memory_space<hbm>>
    tpu.wait_indirect_dma semaphore(%arg11 : memref<!tpu.dma_semaphore, #tpu.memory_space<semaphore_mem>>) src(%dma_wait3A_144 : memref<1000000xi32, #tpu.memory_space<hbm>>) dst(%dma_wait3A_139 : memref<128xi32, #tpu.memory_space<vmem>>)
    "tpu.region"() ({
      %run_scoped3A = tpu.sem_alloc : memref<!tpu.dma_semaphore, #tpu.memory_space<semaphore_mem>>
      %dma_start3A_145 = arith.constant 0 : i32
      %dma_start3A_146 = tpu.memref_slice %arg5[%mul3A_2, %dma_start3A_145] : memref<16384x64xf32, #tpu.memory_space<hbm>> -> memref<512x64xf32, #tpu.memory_space<hbm>>
      %dma_start3A_147 = arith.constant 0 : i32
      %dma_start3A_148 = tpu.memref_slice %arg5[%mul3A_2, %dma_start3A_147] : memref<16384x64xf32, #tpu.memory_space<hbm>> -> memref<512x64xf32, #tpu.memory_space<hbm>>
      tpu.enqueue_dma source(%arg8 : memref<512x64xf32, #tpu.memory_space<vmem>>) target(%dma_start3A_148 : memref<512x64xf32, #tpu.memory_space<hbm>>) target_semaphore(%run_scoped3A : memref<!tpu.dma_semaphore, #tpu.memory_space<semaphore_mem>>)
      %dma_wait3A_149 = arith.constant 0 : i32
      %dma_wait3A_150 = tpu.memref_slice %arg5[%mul3A_2, %dma_wait3A_149] : memref<16384x64xf32, #tpu.memory_space<hbm>> -> memref<512x64xf32, #tpu.memory_space<hbm>>
      %dma_wait3A_151 = arith.constant 0 : i32
      %dma_wait3A_152 = tpu.memref_slice %arg5[%mul3A_2, %dma_wait3A_151] : memref<16384x64xf32, #tpu.memory_space<hbm>> -> memref<512x64xf32, #tpu.memory_space<hbm>>
      tpu.wait_dma2 semaphore(%run_scoped3A : memref<!tpu.dma_semaphore, #tpu.memory_space<semaphore_mem>>) src(%arg8 : memref<512x64xf32, #tpu.memory_space<vmem>>) dst(%dma_wait3A_152 : memref<512x64xf32, #tpu.memory_space<hbm>>)
      tpu.yield
    }) : () -> ()
    "tpu.region"() ({
      %run_scoped3A = tpu.sem_alloc : memref<!tpu.dma_semaphore, #tpu.memory_space<semaphore_mem>>
      %dma_start3A_145 = tpu.memref_slice %arg6[%mul3A_2] : memref<16384xi32, #tpu.memory_space<hbm>> -> memref<512xi32, #tpu.memory_space<hbm>>
      %dma_start3A_146 = tpu.memref_slice %arg6[%mul3A_2] : memref<16384xi32, #tpu.memory_space<hbm>> -> memref<512xi32, #tpu.memory_space<hbm>>
      tpu.enqueue_dma source(%arg9 : memref<512xi32, #tpu.memory_space<vmem>>) target(%dma_start3A_146 : memref<512xi32, #tpu.memory_space<hbm>>) target_semaphore(%run_scoped3A : memref<!tpu.dma_semaphore, #tpu.memory_space<semaphore_mem>>)
      %dma_wait3A_147 = tpu.memref_slice %arg6[%mul3A_2] : memref<16384xi32, #tpu.memory_space<hbm>> -> memref<512xi32, #tpu.memory_space<hbm>>
      %dma_wait3A_148 = tpu.memref_slice %arg6[%mul3A_2] : memref<16384xi32, #tpu.memory_space<hbm>> -> memref<512xi32, #tpu.memory_space<hbm>>
      tpu.wait_dma2 semaphore(%run_scoped3A : memref<!tpu.dma_semaphore, #tpu.memory_space<semaphore_mem>>) src(%arg9 : memref<512xi32, #tpu.memory_space<vmem>>) dst(%dma_wait3A_148 : memref<512xi32, #tpu.memory_space<hbm>>)
      tpu.yield
    }) : () -> ()
    return
  }
}

</mosaic_0001>

<sc_bundles>
// kernel: kernel.3.cloned.1.call-start
scs
__scs_entry_jumppad:
0x0: {  	(pc) =	sbr.rel $0x88, $3  }
0x1: {  	(tag) =	ssettag $0x0;
	lr =	simm.s32 $0x1  }
0x2: {  	[smem:$0x3F9E] =	sst lr;
	_ =	strace $0xD0000000  }
0x3: {  	_ = 	snop  }
0x4: {  	_ = 	snop  }
0x5: {  	_ = 	snop  }
0x6: {  	_ = 	snop  }
0x7: {  	_ = 	snop  }
__scs_overlays_trampoline_lowered:
0x8: {  	[smem:$0x3FAD] =	sst s0  }
0x9: {  	[smem:$0x3FAE] =	sst s1  }
0xa: {  	[smem:$0x3FAF] =	sst s2  }
0xb: {  	[smem:$0x3FB0] =	sst s3  }
0xc: {  	[smem:$0x3FB1] =	sst s4  }
0xd: {  	[smem:$0x3FB2] =	sst s5  }
0xe: {  	[smem:$0x3FB3] =	sst s6  }
0xf: {  	[smem:$0x3FB4] =	sst s7  }
0x10: {  	[smem:$0x3FB5] =	sst s8  }
0x11: {  	[smem:$0x3FB6] =	sst s9;
	s0 =	simm.s32 @!p0 $0x0  }
0x12: {  	s1 =	sld [smem:$0x3F9C];
	s0 =	simm.s32 @p0 $0x1  }
0x13: {  	[smem:$0x3FB7] =	sst s0;
	s0 =	simm.s32 @!p1 $0x0  }
0x14: {  	s2 =	sld [smem:$0x3F9B];
	s0 =	simm.s32 @p1 $0x1  }
0x15: {  	[smem:$0x3FB8] =	sst s0;
	s0 =	simm.s32 @!p2 $0x0  }
0x16: {  	s3 =	sld [smem:$0x3FDB];
	s0 =	simm.s32 @p2 $0x1  }
0x17: {  	s4 =	simm.s32 $0x1BF5;
	[smem:$0x3FBA] =	sst s0  }
0x18: {  	s0 =	sld [smem:$0x3F9D];
	_ =	swait.ge [sflag:s4], $0x0  }
0x19: {  	s7 =	sld [smem:$0x3F9E]  }
0x1a: {  	s8 =	sadd.s32 $0xFFFFE003, lr  }
0x1b: {  	s9 =	sadd.s32 $0xFFFFFEF7, lr;
	s5 =	simm.s32 $0xFFFFFFFF;
	p2 =	slt.u32 s8, $0xFFFFF086  }
0x1c: {  	p1 =	slt.u32 s9, $0xF7A;
	s5 =	simm.s32 @!p2 $0x0  }
0x1d: {  	s5 =	simm.s32 @p1 $0x1;
	p0 =	seq.s32 s7, s2  }
0x1e: {  	s7 =	smul.u32 @!p0 $0xF7A, s2;
	p2 =	seq.s32 @!p0 s5, $0x0  }
0x1f: {  	s9 =	smul.u32 $0xF7A, s1;
	s8 =	simm.s32 @!p0 $0x1BF5;
	p2 =	por !p2, p0  }
0x20: {  	[sflag:s8] =	ssyncset.s32 @!p0 $0xFFFFF086;
	s6 =	sadd.s32 @!p0 s3, s7;
	s7 =	simm.s32 @!p0 $0x108  }
0x21: {  	s3 =	sadd.s32 s3, s9;
	s6 =	sadd.s32 @!p0 $0x88, s6;
	s7 =	simm.s32 @p2 $0x1082  }
0x22: {  	[simem:s7], [sflag:s8] =	dma.local @!p0 [hbm:s6], $0xF7A  }
0x23: {  	s9 =	sor.u32 $0xD0000000, s2;
	s6 =	simm.s32 $0x108;
	_ =	swait.ge @!p0 [sflag:s8], $0x0  }
0x24: {  	s3 =	sadd.s32 $0x88, s3;
	s6 =	simm.s32 @!p1 $0x1082;
	[sflag:s4] =	ssyncset.s32 $0xFFFFF086  }
0x25: {  	[simem:s6], [sflag:s4] =	dma.local [hbm:s3], $0xF7A  }
0x26: {  	[smem:$0x3F9E] =	sst s1;
	(tag) =	ssettag s2;
	_ =	strace s9  }
0x27: {  	s1 =	sld [smem:$0x3FAE]  }
0x28: {  	s2 =	sld [smem:$0x3FAF]  }
0x29: {  	s4 =	sld [smem:$0x3FB1]  }
0x2a: {  	p0 =	seq.s32 s5, $0x0;
	s5 =	sld [smem:$0x3FB2]  }
0x2b: {  	s6 =	sld [smem:$0x3FB3]  }
0x2c: {  	s7 =	sld [smem:$0x3FB4]  }
0x2d: {  	s3 =	simm.s32 $0x108;
	s8 =	sld [smem:$0x3FB5]  }
0x2e: {  	s3 =	simm.s32 @!p0 $0x1082;
	s9 =	sld [smem:$0x3FB6]  }
0x2f: {  	lr =	sadd.s32 s0, s3;
	s0 =	sld [smem:$0x3FAD]  }
0x30: {  	s3 =	sld [smem:$0x3FB0]  }
0x31: {  	[smem:$0x3FB9] =	sst s10  }
0x32: {  	s10 =	sld [smem:$0x3FB7];
	_ =	sdelay $0x3  }
0x33: {  	p0 =	seq.s32 s10, $0x1;
	s10 =	sld [smem:$0x3FB9];
	_ =	sdelay $0x3  }
0x34: {  	[smem:$0x3FB9] =	sst s10  }
0x35: {  	s10 =	sld [smem:$0x3FB8];
	_ =	sdelay $0x3  }
0x36: {  	p1 =	seq.s32 s10, $0x1;
	s10 =	sld [smem:$0x3FB9];
	_ =	sdelay $0x3  }
0x37: {  	[smem:$0x3FB9] =	sst s10  }
0x38: {  	s10 =	sld [smem:$0x3FBA]  }
0x39: {  	_ = 	snop;
	(pc) =	sbr.ind lr, $3  }
0x3a: {  	_ = 	snop  }
0x3b: {  	_ = 	snop  }
0x3c: {  	p2 =	seq.s32 s10, $0x1;
	s10 =	sld [smem:$0x3FB9]  }
0x3d: {  	_ =	shalt  }
0x3e: {  	_ =	shalt  }
0x3f: {  	_ =	shalt  }
0x40: {  	_ =	shalt  }
0x41: {  	_ =	shalt  }
0x42: {  	_ =	shalt  }
0x43: {  	_ =	shalt  }
0x44: {  	_ =	shalt  }
0x45: {  	_ =	shalt  }
0x46: {  	_ =	shalt  }
0x47: {  	_ =	shalt  }
0x48: {  	_ =	shalt  }
0x49: {  	_ =	shalt  }
0x4a: {  	_ =	shalt  }
0x4b: {  	_ =	shalt  }
0x4c: {  	_ =	shalt  }
0x4d: {  	_ =	shalt  }
0x4e: {  	_ =	shalt  }
0x4f: {  	_ =	shalt  }
0x50: {  	_ =	shalt  }
0x51: {  	_ =	shalt  }
0x52: {  	_ =	shalt  }
0x53: {  	_ =	shalt  }
0x54: {  	_ =	shalt  }
0x55: {  	_ =	shalt  }
0x56: {  	_ =	shalt  }
0x57: {  	_ =	shalt  }
0x58: {  	_ =	shalt  }
0x59: {  	_ =	shalt  }
0x5a: {  	_ =	shalt  }
0x5b: {  	_ =	shalt  }
0x5c: {  	_ =	shalt  }
0x5d: {  	_ =	shalt  }
0x5e: {  	_ =	shalt  }
0x5f: {  	_ =	shalt  }
0x60: {  	_ =	shalt  }
0x61: {  	_ =	shalt  }
0x62: {  	_ =	shalt  }
0x63: {  	_ =	shalt  }
0x64: {  	_ =	shalt  }
0x65: {  	_ =	shalt  }
0x66: {  	_ =	shalt  }
0x67: {  	_ =	shalt  }
0x68: {  	_ =	shalt  }
0x69: {  	_ =	shalt  }
0x6a: {  	_ =	shalt  }
0x6b: {  	_ =	shalt  }
0x6c: {  	_ =	shalt  }
0x6d: {  	_ =	shalt  }
0x6e: {  	_ =	shalt  }
0x6f: {  	_ =	shalt  }
0x70: {  	_ =	shalt  }
0x71: {  	_ =	shalt  }
0x72: {  	_ =	shalt  }
0x73: {  	_ =	shalt  }
0x74: {  	_ =	shalt  }
0x75: {  	_ =	shalt  }
0x76: {  	_ =	shalt  }
0x77: {  	_ =	shalt  }
0x78: {  	_ =	shalt  }
0x79: {  	_ =	shalt  }
0x7a: {  	_ =	shalt  }
0x7b: {  	_ =	shalt  }
0x7c: {  	_ =	shalt  }
0x7d: {  	_ =	shalt  }
0x7e: {  	_ =	shalt  }
0x7f: {  	_ =	shalt  }
0x80: {  	_ =	shalt  }
0x81: {  	_ =	shalt  }
0x82: {  	_ =	shalt  }
0x83: {  	_ =	shalt  }
0x84: {  	_ =	shalt  }
0x85: {  	_ =	shalt  }
0x86: {  	_ =	shalt  }
0x87: {  	_ =	shalt  }
.Lfunc_end0:
.L_simem_size_0:
called_computation_lowered:
.L_overlay_start_0:
0x88: {  	s2 =	sld [smem:$0x3FD9]  }
0x89: {  	s3 =	sld [smem:$0x3FFE];
	_ =	sdelay $0x1  }
0x8a: {  	s1 =	srdreg.scid  }
0x8b: {  	s0 =	sand.u32 $0x1, s1  }
0x8c: {  	s14 =	sshll.u32 s0, $0xA;
	s2 =	sadd.s32 s3, s2  }
0x8d: {  	s2 =	sadd.s32 s2, s14  }
0x8e: {  	[smem:$0x3FC5] =	sst s2  }
0x8f: {  	_ = 	snop  }
0x90: {  	s2 =	sld [smem:$0x3FD0];
	_ =	sdelay $0x1  }
0x91: {  	s15 =	sld [smem:$0x3FC9]  }
0x92: {  	s5 =	simm.s32 $0xA;
	s6 =	simm.s32 $0x10;
	s4 =	sld [smem:$0x3FC7]  }
0x93: {  	[smem:s6], [sflag:s5] =	dma.local [hbm:s2], $0x1  }
0x94: {  	_ =	swait.eq [sflag:s5], $0x1  }
0x95: {  	[sflag:s5] =	ssyncset.done $0x0  }
0x96: {  	s16 =	sld [smem:$0x10];
	[sflag:s5] =	ssyncadd.s32 $0xFFFFFFFF  }
0x97: {  	s17 =	sld [smem:$0x11];
	(tm) =	ssettm $0x1  }
0x98: {  	s18 =	sld [smem:$0x3FFB];
	_ =	sdelay $0x3  }
0x99: {  	_ =	strace s18  }
0x9a: {  	s6 =	sld [smem:$0x3FFC];
	_ =	sdelay $0x3  }
0x9b: {  	_ =	strace s6  }
0x9c: {  	s6 =	sld [smem:$0x3FFD];
	_ =	sdelay $0x3  }
0x9d: {  	_ =	strace s6  }
0x9e: {  	_ =	strace $0x8FFFFFFF  }
0x9f: {  	s19 =	sld [smem:$0x3FDB];
	_ =	sdelay $0x1  }
0xa0: {  	s7 =	simm.s32 $_scs_section_size  }
0xa1: {  	s8 =	simm.s32 $_size__tile_overlayer_lowered;
	s9 =	simm.s32 $_tile_overlayer_lowered  }
0xa2: {  	s22 =	simm.s32 $0x1BFF;
	s21 =	sshll.u32 s9, $0x1;
	s6 =	sadd.s32 s7, s19  }
0xa3: {  	s10 =	simm.s32 $0x0;
	s20 =	sshll.u32 s8, $0x1;
	s8 =	sadd.s32 s21, s6  }
0xa4: {  	[timem:s10], [sflag:s22] =	dma.local [hbm:s8], s20  }
0xa5: {  	_ =	swait.ge [sflag:s22], s20  }
0xa6: {  	s7 =	ssub.s32 $0x0, s20;
	[sflag:s22] =	ssyncset.done $0x0  }
0xa7: {  	[sflag:s22] =	ssyncadd.s32 s7;
	_ =	sdelay $0x1  }
0xa8: {  	s23 =	simm.s32 $0x1B8B  }
0xa9: {  	_ =	swait.ge [sflag:s23], $0x1  }
0xaa: {  	[sflag:s23] =	ssyncset.done $0x0  }
0xab: {  	s25 =	simm.s32 $0x1B8E;
	s24 =	sld [smem:$0x3FFE];
	[sflag:s23] =	ssyncadd.s32 $0xFFFFFFFF  }
0xac: {  	s26 =	simm.s32 $execute0_lowered;
	[smem:$0x3FD2] =	sst s25  }
0xad: {  	s8 =	sshll.u32 s26, $0x1;
	_ =	strace $0x80000046;
	[dreg:$0x1] =	wrdreg $0xFFFFFFFF  }
0xae: {  	s28 =	simm.s32 $_size_execute0_lowered;
	s6 =	sadd.s32 s6, s8;
	[dreg:$0x0] =	wrdreg $0x0  }
0xaf: {  	s8 =	sshll.u32 s28, $0x1;
	[dreg:$0x2] =	wrdreg s6  }
0xb0: {  	[dreg:$0x3] =	wrdreg s8  }
0xb1: {  	[dreg:$0x4] =	wrdreg $0xC0  }
0xb2: {  	_ =	task [dreg:s10], $0x5FFFF  }
0xb3: {  	[dreg:$0x1] =	wrdreg $0xFFFFFFFF  }
0xb4: {  	[dreg:$0x0] =	wrdreg $0x60  }
0xb5: {  	[dreg:$0x2] =	wrdreg s15  }
0xb6: {  	[dreg:$0x3] =	wrdreg s24  }
0xb7: {  	[dreg:$0x4] =	wrdreg s4  }
0xb8: {  	[dreg:$0x5] =	wrdreg s16  }
0xb9: {  	[dreg:$0x6] =	wrdreg s17  }
0xba: {  	[dreg:$0x7] =	wrdreg $0x9  }
0xbb: {  	_ =	task.clear_ibuf [dreg:s10], $0x8FFFF;
	_ =	strace $0x90000046  }
0xbc: {  	s29 =	simm.s32 $0x9;
	_ =	strace $0x80000048  }
0xbd: {  	_ =	swait.ge [sflag:s29], $0x1  }
0xbe: {  	[sflag:s29] =	ssyncadd.s32 $0xFFFFFFFF  }
0xbf: {  	_ =	strace $0x90000048  }
0xc0: {  	_ =	sfence  }
0xc1: {  	s30 =	sld [smem:$0x0];
	_ =	sdelay $0x2  }
0xc2: {  	s31 =	sshll.u32 s1, $0xD;
	s1 =	sshrl.u32 s1, $0x2  }
0xc3: {  	s3 =	sand.u32 $0x4000, s31;
	s1 =	sadd.s32 s1, s30  }
0xc4: {  	s0 =	sor.u32 s3, s0;
	s1 =	sshll.u32 s1, $0x11  }
0xc5: {  	s0 =	sor.u32 s1, s0  }
0xc6: {  	s0 =	sadd.s32 $0x8F2B, s0  }
0xc7: {  	[sflag:s0] =	ssyncadd.remote.s32 $0x1  }
0xc8: {  	_ =	sfence.sel $0xFFFF  }
0xc9: {  	[dreg:$0x0] =	wrdreg $0xFFFFFFFF;
	(pc) =	sbr.abs _section_cstart, $3  }
0xca: {  	[dreg:$0x1] =	wrdreg $0xFFFFFFFF  }
0xcb: {  	_ =	task.clear_ibuf [dreg:s10], $0x2FFFF;
	_ =	strace $0x9FFFFFFF  }
0xcc: {  	(tm) =	ssettm $0x7FFFFFFF  }
0xcd: {  	_ =	shalt  }
tec
execute0_lowered:
.L_overlay_start_1:
0x0: {  	(tag) =	ssettag $0x1  }
0x1: {  	s4 =	rddreg [dreg:$0x0]  }
0x2: {  	s6 =	rddreg [dreg:$0x1]  }
0x3: {  	s1 =	rddreg [dreg:$0x2];
	s2 =	srdreg.scid  }
0x4: {  	s20 =	rddreg [dreg:$0x3];
	s0 =	stileid.u32;
	s22 =	sand.u32 $0x1, s2  }
0x5: {  	s21 =	rddreg [dreg:$0x4];
	s5 =	sshll.u32 s0, $0xA;
	s7 =	sshll.u32 s22, $0x9  }
0x6: {  	s3 =	simm.s32 $0x0;
	s2 =	rddreg [dreg:$0x5];
	s23 =	sor.u32 s7, s5  }
0x7: {  	[smem:$0x7FF] =	sst s3;
	s24 =	sshrl.u32 s23, $0x3  }
0x8: {  	_ =	strace $0x80000047;
	s5 =	sadd.s32 s4, s24;
	s4 =	simm.s32 $0x3  }
0x9: {  	[tilespmem:s3], [sflag:$0x3] =	stream.linear.gather [hbm4b:s5+s3], $0x200, $0x38;
	[tilespmem:$0x8400] =	vst v63  }
0xa: {  	_ =	swait.ge [sflag:s4], $0x200  }
0xb: {  	s8 =	simm.s32 $0x200;
	[sflag:s4] =	ssyncset.done $0x0  }
0xc: {  	s6 =	sadd.s32 $0xF42C00, s6;
	s7 =	simm.s32 $0x80;
	[sflag:s4] =	ssyncadd.s32 $0xFFFFFE00  }
0xd: {  	[tilespmem:s8], [sflag:$0x1] =	stream.indirect.gather [hbm4b:s6+s7], $0x40, s3, s7, $0xb8;
	[tilespmem:$0x8400] =	vst v63  }
0xe: {  	s9 =	simm.s32 $0x8200  }
0xf: {  	[tilespmem:s9], [sflag:$0x2] =	stream.indirect.gather [hbm4b:s1+s7], $0x1, s3, s7, $0xb8;
	[tilespmem:$0x8400] =	vst v63  }
0x10: {  	s10 =	simm.s32 $0x2200  }
0x11: {  	[tilespmem:s10], [sflag:$0x1] =	stream.indirect.gather [hbm4b:s6+s7], $0x40, s7, s7, $0xb8;
	[tilespmem:$0x8400] =	vst v63  }
0x12: {  	s11 =	simm.s32 $0x8280  }
0x13: {  	[tilespmem:s11], [sflag:$0x2] =	stream.indirect.gather [hbm4b:s1+s7], $0x1, s7, s7, $0xb8;
	[tilespmem:$0x8400] =	vst v63  }
0x14: {  	s12 =	simm.s32 $0x100;
	s13 =	simm.s32 $0x4200  }
0x15: {  	[tilespmem:s13], [sflag:$0x1] =	stream.indirect.gather [hbm4b:s6+s7], $0x40, s12, s7, $0xb8;
	[tilespmem:$0x8400] =	vst v63  }
0x16: {  	s14 =	simm.s32 $0x8300  }
0x17: {  	[tilespmem:s14], [sflag:$0x2] =	stream.indirect.gather [hbm4b:s1+s7], $0x1, s12, s7, $0xb8;
	[tilespmem:$0x8400] =	vst v63  }
0x18: {  	s15 =	simm.s32 $0x180;
	s16 =	simm.s32 $0x6200  }
0x19: {  	[tilespmem:s16], [sflag:$0x1] =	stream.indirect.gather [hbm4b:s6+s7], $0x40, s15, s7, $0xb8;
	[tilespmem:$0x8400] =	vst v63  }
0x1a: {  	s17 =	simm.s32 $0x8380;
	s18 =	simm.s32 $0x1  }
0x1b: {  	[tilespmem:s17], [sflag:$0x2] =	stream.indirect.gather [hbm4b:s1+s7], $0x1, s15, s7, $0xb8;
	[tilespmem:$0x8400] =	vst v63  }
0x1c: {  	_ =	swait.ge [sflag:s18], $0x2000  }
0x1d: {  	[sflag:s18] =	ssyncset.done $0x0  }
0x1e: {  	s19 =	simm.s32 $0x2;
	[sflag:s18] =	ssyncadd.s32 $0xFFFFE000  }
0x1f: {  	_ =	swait.ge [sflag:s19], $0x80  }
0x20: {  	[sflag:s19] =	ssyncset.done $0x0  }
0x21: {  	[sflag:s19] =	ssyncadd.s32 $0xFFFFFF80  }
0x22: {  	_ =	swait.ge [sflag:s18], $0x2000  }
0x23: {  	[sflag:s18] =	ssyncset.done $0x0  }
0x24: {  	[sflag:s18] =	ssyncadd.s32 $0xFFFFE000  }
0x25: {  	_ =	swait.ge [sflag:s19], $0x80  }
0x26: {  	[sflag:s19] =	ssyncset.done $0x0  }
0x27: {  	[sflag:s19] =	ssyncadd.s32 $0xFFFFFF80  }
0x28: {  	_ =	swait.ge [sflag:s18], $0x2000  }
0x29: {  	[sflag:s18] =	ssyncset.done $0x0  }
0x2a: {  	[sflag:s18] =	ssyncadd.s32 $0xFFFFE000  }
0x2b: {  	_ =	swait.ge [sflag:s19], $0x80  }
0x2c: {  	[sflag:s19] =	ssyncset.done $0x0  }
0x2d: {  	[sflag:s19] =	ssyncadd.s32 $0xFFFFFF80  }
0x2e: {  	_ =	swait.ge [sflag:s18], $0x2000  }
0x2f: {  	[sflag:s18] =	ssyncset.done $0x0  }
0x30: {  	s22 =	ssub.s32 $0x2, s22;
	[sflag:s18] =	ssyncadd.s32 $0xFFFFE000  }
0x31: {  	s31 =	sshrl.u32 s22, $0x1;
	_ =	swait.ge [sflag:s19], $0x80  }
0x32: {  	s23 =	sshll.u32 s23, $0x3;
	s22 =	ssub.s32 s22, s31;
	[sflag:s19] =	ssyncset.done $0x0  }
0x33: {  	s20 =	sadd.s32 s20, s23;
	s22 =	smax.u32 s22, $0x1;
	[sflag:s19] =	ssyncadd.s32 $0xFFFFFF80  }
0x34: {  	[hbm4b:s20+s3] =	stream.linear.scatter [tilespmem:s8], [sflag:$0x3], $0x8000, $0x38;
	[tilespmem:$0x8400] =	vst v63  }
0x35: {  	p0 =	sne.s32 s22, $0x1;
	_ =	swait.ge [sflag:s4], $0x8000  }
.Ltmp0:
0x36: {  	[sflag:s4] =	ssyncset.done $0x0;
	(pc) =	sbr.rel @!p0 .LBB2_2-.Ltmp0, $4  }
0x37: {  	s21 =	sadd.s32 s21, s24;
	[sflag:s4] =	ssyncadd.s32 $0xFFFF8000  }
0x38: {  	[hbm4b:s21+s3] =	stream.linear.scatter [tilespmem:s9], [sflag:$0x3], $0x200, $0x38;
	[tilespmem:$0x8400] =	vst v63  }
0x39: {  	_ =	swait.ge [sflag:s4], $0x200  }
0x3a: {  	s22 =	sadd.s32 $0xFFFFFFFF, s22;
	[sflag:s4] =	ssyncset.done $0x0  }
.LBB2_1:
0x3b: {  	p0 =	sne.s32 s22, $0x1;
	s22 =	sadd.s32 $0xFFFFFFFF, s22;
	[sflag:s4] =	ssyncadd.s32 $0xFFFFFE00  }
0x3c: {  	[tilespmem:s3], [sflag:$0x3] =	stream.linear.gather [hbm4b:s5+s3], $0x200, $0x38;
	[tilespmem:$0x8400] =	vst v63  }
0x3d: {  	_ =	swait.ge [sflag:s4], $0x200  }
0x3e: {  	[sflag:s4] =	ssyncset.done $0x0  }
0x3f: {  	[sflag:s4] =	ssyncadd.s32 $0xFFFFFE00  }
0x40: {  	[tilespmem:s8], [sflag:$0x1] =	stream.indirect.gather [hbm4b:s6+s7], $0x40, s3, s7, $0xb8;
	[tilespmem:$0x8400] =	vst v63  }
0x41: {  	_ = 	snop  }
0x42: {  	[tilespmem:s9], [sflag:$0x2] =	stream.indirect.gather [hbm4b:s1+s7], $0x1, s3, s7, $0xb8;
	[tilespmem:$0x8400] =	vst v63  }
0x43: {  	_ = 	snop  }
0x44: {  	[tilespmem:s10], [sflag:$0x1] =	stream.indirect.gather [hbm4b:s6+s7], $0x40, s7, s7, $0xb8;
	[tilespmem:$0x8400] =	vst v63  }
0x45: {  	_ = 	snop  }
0x46: {  	[tilespmem:s11], [sflag:$0x2] =	stream.indirect.gather [hbm4b:s1+s7], $0x1, s7, s7, $0xb8;
	[tilespmem:$0x8400] =	vst v63  }
0x47: {  	_ = 	snop  }
0x48: {  	[tilespmem:s13], [sflag:$0x1] =	stream.indirect.gather [hbm4b:s6+s7], $0x40, s12, s7, $0xb8;
	[tilespmem:$0x8400] =	vst v63  }
0x49: {  	_ = 	snop  }
0x4a: {  	[tilespmem:s14], [sflag:$0x2] =	stream.indirect.gather [hbm4b:s1+s7], $0x1, s12, s7, $0xb8;
	[tilespmem:$0x8400] =	vst v63  }
0x4b: {  	_ = 	snop  }
0x4c: {  	[tilespmem:s16], [sflag:$0x1] =	stream.indirect.gather [hbm4b:s6+s7], $0x40, s15, s7, $0xb8;
	[tilespmem:$0x8400] =	vst v63  }
0x4d: {  	_ = 	snop  }
0x4e: {  	[tilespmem:s17], [sflag:$0x2] =	stream.indirect.gather [hbm4b:s1+s7], $0x1, s15, s7, $0xb8;
	[tilespmem:$0x8400] =	vst v63  }
0x4f: {  	_ =	swait.ge [sflag:s18], $0x2000  }
0x50: {  	[sflag:s18] =	ssyncset.done $0x0  }
0x51: {  	[sflag:s18] =	ssyncadd.s32 $0xFFFFE000  }
0x52: {  	_ =	swait.ge [sflag:s19], $0x80  }
0x53: {  	[sflag:s19] =	ssyncset.done $0x0  }
0x54: {  	[sflag:s19] =	ssyncadd.s32 $0xFFFFFF80  }
0x55: {  	_ =	swait.ge [sflag:s18], $0x2000  }
0x56: {  	[sflag:s18] =	ssyncset.done $0x0  }
0x57: {  	[sflag:s18] =	ssyncadd.s32 $0xFFFFE000  }
0x58: {  	_ =	swait.ge [sflag:s19], $0x80  }
0x59: {  	[sflag:s19] =	ssyncset.done $0x0  }
0x5a: {  	[sflag:s19] =	ssyncadd.s32 $0xFFFFFF80  }
0x5b: {  	_ =	swait.ge [sflag:s18], $0x2000  }
0x5c: {  	[sflag:s18] =	ssyncset.done $0x0  }
0x5d: {  	[sflag:s18] =	ssyncadd.s32 $0xFFFFE000  }
0x5e: {  	_ =	swait.ge [sflag:s19], $0x80  }
0x5f: {  	[sflag:s19] =	ssyncset.done $0x0  }
0x60: {  	[sflag:s19] =	ssyncadd.s32 $0xFFFFFF80  }
0x61: {  	_ =	swait.ge [sflag:s18], $0x2000  }
0x62: {  	[sflag:s18] =	ssyncset.done $0x0  }
0x63: {  	[sflag:s18] =	ssyncadd.s32 $0xFFFFE000  }
0x64: {  	_ =	swait.ge [sflag:s19], $0x80  }
0x65: {  	[sflag:s19] =	ssyncset.done $0x0  }
0x66: {  	[sflag:s19] =	ssyncadd.s32 $0xFFFFFF80  }
0x67: {  	[hbm4b:s20+s3] =	stream.linear.scatter [tilespmem:s8], [sflag:$0x3], $0x8000, $0x38;
	[tilespmem:$0x8400] =	vst v63  }
0x68: {  	_ =	swait.ge [sflag:s4], $0x8000  }
.Ltmp1:
0x69: {  	[sflag:s4] =	ssyncset.done $0x0;
	(pc) =	sbr.rel @p0 .LBB2_1-.Ltmp1, $4  }
0x6a: {  	[sflag:s4] =	ssyncadd.s32 $0xFFFF8000  }
0x6b: {  	[hbm4b:s21+s3] =	stream.linear.scatter [tilespmem:s9], [sflag:$0x3], $0x200, $0x38;
	[tilespmem:$0x8400] =	vst v63  }
0x6c: {  	_ =	swait.ge [sflag:s4], $0x200  }
0x6d: {  	[sflag:s4] =	ssyncset.done $0x0  }
.LBB2_2:
0x6e: {  	[sflag:s4] =	ssyncadd.s32 $0xFFFFFE00  }
0x6f: {  	_ =	sfence.sel $0x180000  }
0x70: {  	[bflag:$0x0] =	sbarrier.arrive $0xFFFF  }
0x71: {  	p0 =	sne.s32 s0, $0x0;
	_ =	strace $0x90000047  }
0x72: {  	s0 =	sadd.s32 @!p0 $0x100000, s2;
	[bflag:$0x2] =	sbarrier.arrive $0xFFFF  }
0x73: {  	[sflag:s0] =	ssyncadd.tile.s32 @!p0 $0x1;
	_ =	shalt  }
.Lfunc_end2:
_tile_overlayer_lowered:
.L_overlay_start_2:
0x74: {  	(tag) =	ssettag $0x2  }
0x75: {  	s0 =	rddreg [dreg:$0x0];
	s2 =	stileid.u32  }
0x76: {  	s1 =	rddreg [dreg:$0x1];
	p0 =	sne.s32 s2, $0x0  }
0x77: {  	s3 =	rddreg [dreg:$0x2];
	[bflag:$0x3] =	sbarrier.arrive $0xFFFF;
	s2 =	simm.s32 @!p0 $0x1C03  }
0x78: {  	[timem:s3], [sflag:s2] =	dma.local @!p0 [hbm:s0], s1  }
0x79: {  	s0 =	simm.s32 @!p0 $0x3  }
0x7a: {  	_ =	swait.ge @!p0 [sflag:s0], s1  }
0x7b: {  	s1 =	ssub.s32 @!p0 $0x0, s1;
	[sflag:s0] =	ssyncset.done @!p0 $0x0  }
0x7c: {  	[sflag:s0] =	ssyncadd.s32 @!p0 s1  }
0x7d: {  	[bflag:$0x3] =	sbarrier.arrive $0xFFFF  }
0x7e: {  	_ =	shalt  }

</sc_bundles>
